<compile_context>
chip_gen: v7x
topology: tpu7x:2x2x1
jax: 0.10.2.dev20260603
libtpu: 0.0.44.dev20260713+nightly
codegen_flags: <defaults>
</compile_context>

<pallas_src>
import jax
import jax.numpy as jnp
from jax import lax
from jax.experimental import pallas as pl
from jax.experimental.pallas import tpu as pltpu
from jax.experimental.pallas import tpu_sc as plsc

DIM = 128
NUM_MODELS = 64
TEXT_DIM = 1536
BATCH = 4096

NC = 2
NS = 16
L = 16
NW = NC * NS
B_PER_TILE = BATCH // NW


def _tc_table_body(prompt_ref, p_ref, wt_ref, wcls_ref, table_ref):
    pe = lax.dot_general(
        prompt_ref[...], wt_ref[...],
        dimension_numbers=(((1,), (1,)), ((), ())),
        preferred_element_type=jnp.float32,
    )
    w = pe * wcls_ref[...]
    p = p_ref[...]
    srow = lax.dot_general(
        w, p, dimension_numbers=(((1,), (1,)), ((), ())),
        preferred_element_type=jnp.float32,
    )
    n2row = lax.dot_general(
        jnp.ones((1, DIM), jnp.float32), p * p,
        dimension_numbers=(((1,), (1,)), ((), ())),
        preferred_element_type=jnp.float32,
    )
    table_ref[...] = srow / jnp.maximum(jnp.sqrt(n2row), 1e-12)


def _sc_gather_body(table_hbm, ids_hbm, out_hbm, table_v, ids_v, out_v,
                    sem_t, sem_id):
    cid = lax.axis_index("c")
    sid = lax.axis_index("s")
    wid = sid * NC + cid
    cp_t = pltpu.async_copy(table_hbm.at[0], table_v, sem_t)
    cp_id = pltpu.async_copy(
        ids_hbm.at[pl.ds(wid * B_PER_TILE, B_PER_TILE)], ids_v, sem_id)
    cp_t.wait()
    cp_id.wait()
    for j in range(B_PER_TILE // L):
        idx = ids_v[pl.ds(j * L, L)]
        out_v[pl.ds(j * L, L)] = plsc.load_gather(table_v, [idx])
    pltpu.sync_copy(out_v, out_hbm.at[pl.ds(wid * B_PER_TILE, B_PER_TILE)])


@jax.jit
def _run(model_id, prompt_embed, P, W_text, W_cls):
    table = pl.pallas_call(
        _tc_table_body,
        out_shape=jax.ShapeDtypeStruct((1, NUM_MODELS), jnp.float32),
    )(prompt_embed.reshape(1, TEXT_DIM), P, W_text, W_cls)
    mesh = plsc.VectorSubcoreMesh(core_axis_name="c", subcore_axis_name="s",
                                  num_cores=NC, num_subcores=NS)
    return pl.kernel(
        _sc_gather_body,
        out_type=jax.ShapeDtypeStruct((BATCH,), jnp.float32),
        mesh=mesh,
        scratch_types=[
            pltpu.VMEM((NUM_MODELS,), jnp.float32),
            pltpu.VMEM((B_PER_TILE,), jnp.int32),
            pltpu.VMEM((B_PER_TILE,), jnp.float32),
            pltpu.SemaphoreType.DMA,
            pltpu.SemaphoreType.DMA,
        ],
        compiler_params=pltpu.CompilerParams(
            needs_layout_passes=False,
            skip_device_barrier=True,
            disable_bounds_checks=True,
            disable_semaphore_checks=True,
        ),
    )(table, model_id)


def kernel(model_id, prompt_embed, P, W_text, W_cls):
    return _run(model_id.astype(jnp.int32), prompt_embed, P, W_text, W_cls)

# --- scband reference (transcript-rebuilt; emitter-appended) ---
"""Pipeline reference for scband-mfmodel-42477226557523 (READ-ONLY COPY).

The authoritative reference and input builder live on the scoring server;
editing this copy changes nothing except your own understanding.
"""

import jax, jax.numpy as jnp
import numpy as np

DIM = 128
NUM_MODELS = 64
TEXT_DIM = 1536
NUM_CLASSES = 1
BATCH = 4096


def setup_inputs(seed: int = 0) -> dict:
    key = jax.random.key(seed)
    k1, k2, k3, k4, k5 = jax.random.split(key, 5)
    model_id = jax.random.randint(k1, (BATCH,), 0, NUM_MODELS, dtype=jnp.int64 if jax.config.jax_enable_x64 else jnp.int32)
    prompt_embed = jax.random.normal(k2, (TEXT_DIM,), dtype=jnp.float32)
    # learned parameters
    P = jax.random.normal(k3, (NUM_MODELS, DIM), dtype=jnp.float32)
    W_text = jax.random.normal(k4, (DIM, TEXT_DIM), dtype=jnp.float32) * (1.0 / np.sqrt(TEXT_DIM))
    W_cls = jax.random.normal(k5, (NUM_CLASSES, DIM), dtype=jnp.float32) * (1.0 / np.sqrt(DIM))
    return {"model_id": model_id, "prompt_embed": prompt_embed, "P": P, "W_text": W_text, "W_cls": W_cls}


def reference(model_id, prompt_embed, P, W_text, W_cls):
    # model_embed = self.P(model_id)  -- embedding gather
    model_embed = jnp.take(P, model_id, axis=0)  # [B, dim]
    # F.normalize(model_embed, p=2, dim=1) with eps=1e-12
    norm = jnp.linalg.norm(model_embed, ord=2, axis=1, keepdims=True)
    model_embed = model_embed / jnp.maximum(norm, 1e-12)
    # prompt_embed = self.text_proj(prompt_embed)  -- Linear(text_dim, dim, bias=False)
    pe = prompt_embed @ W_text.T  # [dim]
    # classifier(model_embed * prompt_embed).squeeze()
    logits = (model_embed * pe) @ W_cls.T  # [B, 1]
    return jnp.squeeze(logits)

if __name__ == "__main__":
    import jax
    _d = setup_inputs()
    print(jax.jit(kernel)(*tuple(_d.values())))

</pallas_src>

<mosaic_0001>
#map = affine_map<(d0, d1) -> (0, 0)>
#map1 = affine_map<(d0, d1) -> (0)>
module attributes {stable_mosaic.version = 14 : i64} {
  func.func @_sc_gather_body(%arg0: i32, %arg1: i32, %arg2: memref<1x64xf32, #tpu.memory_space<hbm>>, %arg3: memref<4096xi32, #tpu.memory_space<hbm>>, %arg4: memref<4096xf32, #tpu.memory_space<hbm>>, %arg5: memref<64xf32, #tpu.memory_space<vmem>>, %arg6: memref<128xi32, #tpu.memory_space<vmem>>, %arg7: memref<128xf32, #tpu.memory_space<vmem>>, %arg8: memref<!tpu.dma_semaphore, #tpu.memory_space<semaphore_mem>>, %arg9: memref<!tpu.dma_semaphore, #tpu.memory_space<semaphore_mem>>) attributes {dimension_semantics = [#tpu.dimension_semantics<core_parallel>, #tpu.dimension_semantics<subcore_parallel>], iteration_bounds = array<i64: 2, 16>, scalar_prefetch = 0 : i64, scratch_operands = 5 : i64, tpu.core_type = #tpu.core_type<sc_vector_subcore>, window_params = [{transform_indices = #map}, {transform_indices = #map1}, {transform_indices = #map1}]} {
    %mul3A = arith.constant 2 : i32
    %mul3A_0 = arith.muli %arg1, %mul3A : i32
    %add3A = arith.addi %mul3A_0, %arg0 : i32
    %dma_start3A = arith.constant 0 : i32
    %dma_start3A_1 = arith.constant 0 : i32
    %dma_start3A_2 = tpu.memref_slice %arg2[%dma_start3A, %dma_start3A_1] : memref<1x64xf32, #tpu.memory_space<hbm>> -> memref<1x64xf32, #tpu.memory_space<hbm>>
    %dma_start3A_3 = tpu.memref_squeeze %dma_start3A_2 : memref<1x64xf32, #tpu.memory_space<hbm>> -> memref<64xf32, #tpu.memory_space<hbm>>
    %dma_start3A_4 = arith.constant 0 : i32
    %dma_start3A_5 = tpu.memref_slice %arg2[%dma_start3A, %dma_start3A_4] : memref<1x64xf32, #tpu.memory_space<hbm>> -> memref<1x64xf32, #tpu.memory_space<hbm>>
    %dma_start3A_6 = tpu.memref_squeeze %dma_start3A_5 : memref<1x64xf32, #tpu.memory_space<hbm>> -> memref<64xf32, #tpu.memory_space<hbm>>
    tpu.enqueue_dma source(%dma_start3A_6 : memref<64xf32, #tpu.memory_space<hbm>>) target(%arg5 : memref<64xf32, #tpu.memory_space<vmem>>) target_semaphore(%arg8 : memref<!tpu.dma_semaphore, #tpu.memory_space<semaphore_mem>>)
    %mul3A_7 = arith.constant 128 : i32
    %mul3A_8 = arith.muli %add3A, %mul3A_7 : i32
    %dma_start3A_9 = tpu.memref_slice %arg3[%mul3A_8] : memref<4096xi32, #tpu.memory_space<hbm>> -> memref<128xi32, #tpu.memory_space<hbm>>
    %dma_start3A_10 = tpu.memref_slice %arg3[%mul3A_8] : memref<4096xi32, #tpu.memory_space<hbm>> -> memref<128xi32, #tpu.memory_space<hbm>>
    tpu.enqueue_dma source(%dma_start3A_10 : memref<128xi32, #tpu.memory_space<hbm>>) target(%arg6 : memref<128xi32, #tpu.memory_space<vmem>>) target_semaphore(%arg9 : memref<!tpu.dma_semaphore, #tpu.memory_space<semaphore_mem>>)
    %dma_wait3A = arith.constant 0 : i32
    %dma_wait3A_11 = arith.constant 0 : i32
    %dma_wait3A_12 = tpu.memref_slice %arg2[%dma_wait3A, %dma_wait3A_11] : memref<1x64xf32, #tpu.memory_space<hbm>> -> memref<1x64xf32, #tpu.memory_space<hbm>>
    %dma_wait3A_13 = tpu.memref_squeeze %dma_wait3A_12 : memref<1x64xf32, #tpu.memory_space<hbm>> -> memref<64xf32, #tpu.memory_space<hbm>>
    %dma_wait3A_14 = arith.constant 0 : i32
    %dma_wait3A_15 = tpu.memref_slice %arg2[%dma_wait3A, %dma_wait3A_14] : memref<1x64xf32, #tpu.memory_space<hbm>> -> memref<1x64xf32, #tpu.memory_space<hbm>>
    %dma_wait3A_16 = tpu.memref_squeeze %dma_wait3A_15 : memref<1x64xf32, #tpu.memory_space<hbm>> -> memref<64xf32, #tpu.memory_space<hbm>>
    tpu.wait_dma2 semaphore(%arg8 : memref<!tpu.dma_semaphore, #tpu.memory_space<semaphore_mem>>) src(%dma_wait3A_16 : memref<64xf32, #tpu.memory_space<hbm>>) dst(%arg5 : memref<64xf32, #tpu.memory_space<vmem>>)
    %dma_wait3A_17 = tpu.memref_slice %arg3[%mul3A_8] : memref<4096xi32, #tpu.memory_space<hbm>> -> memref<128xi32, #tpu.memory_space<hbm>>
    %dma_wait3A_18 = tpu.memref_slice %arg3[%mul3A_8] : memref<4096xi32, #tpu.memory_space<hbm>> -> memref<128xi32, #tpu.memory_space<hbm>>
    tpu.wait_dma2 semaphore(%arg9 : memref<!tpu.dma_semaphore, #tpu.memory_space<semaphore_mem>>) src(%dma_wait3A_18 : memref<128xi32, #tpu.memory_space<hbm>>) dst(%arg6 : memref<128xi32, #tpu.memory_space<vmem>>)
    %get3A = arith.constant 0 : index
    %get3A_19 = tpu.vector_load %arg6[%get3A] {strides = array<i32>} : memref<128xi32, #tpu.memory_space<vmem>>, vector<16xi32>,
    %gather3A = tpu.vector_load_idx %arg5[%get3A_19] : memref<64xf32, #tpu.memory_space<vmem>>[vector<16xi32>], vector<16xf32>,
    %swap3A = arith.constant 0 : index
    %swap3A_20 = tpu.vector_load %arg7[%swap3A] {strides = array<i32>} : memref<128xf32, #tpu.memory_space<vmem>>, vector<16xf32>,
    tpu.vector_store %arg7[%swap3A], %gather3A {strides = array<i32>} : memref<128xf32, #tpu.memory_space<vmem>>, vector<16xf32>,
    %get3A_21 = arith.constant 16 : index
    %get3A_22 = tpu.vector_load %arg6[%get3A_21] {strides = array<i32>} : memref<128xi32, #tpu.memory_space<vmem>>, vector<16xi32>,
    %gather3A_23 = tpu.vector_load_idx %arg5[%get3A_22] : memref<64xf32, #tpu.memory_space<vmem>>[vector<16xi32>], vector<16xf32>,
    %swap3A_24 = arith.constant 16 : index
    %swap3A_25 = tpu.vector_load %arg7[%swap3A_24] {strides = array<i32>} : memref<128xf32, #tpu.memory_space<vmem>>, vector<16xf32>,
    tpu.vector_store %arg7[%swap3A_24], %gather3A_23 {strides = array<i32>} : memref<128xf32, #tpu.memory_space<vmem>>, vector<16xf32>,
    %get3A_26 = arith.constant 32 : index
    %get3A_27 = tpu.vector_load %arg6[%get3A_26] {strides = array<i32>} : memref<128xi32, #tpu.memory_space<vmem>>, vector<16xi32>,
    %gather3A_28 = tpu.vector_load_idx %arg5[%get3A_27] : memref<64xf32, #tpu.memory_space<vmem>>[vector<16xi32>], vector<16xf32>,
    %swap3A_29 = arith.constant 32 : index
    %swap3A_30 = tpu.vector_load %arg7[%swap3A_29] {strides = array<i32>} : memref<128xf32, #tpu.memory_space<vmem>>, vector<16xf32>,
    tpu.vector_store %arg7[%swap3A_29], %gather3A_28 {strides = array<i32>} : memref<128xf32, #tpu.memory_space<vmem>>, vector<16xf32>,
    %get3A_31 = arith.constant 48 : index
    %get3A_32 = tpu.vector_load %arg6[%get3A_31] {strides = array<i32>} : memref<128xi32, #tpu.memory_space<vmem>>, vector<16xi32>,
    %gather3A_33 = tpu.vector_load_idx %arg5[%get3A_32] : memref<64xf32, #tpu.memory_space<vmem>>[vector<16xi32>], vector<16xf32>,
    %swap3A_34 = arith.constant 48 : index
    %swap3A_35 = tpu.vector_load %arg7[%swap3A_34] {strides = array<i32>} : memref<128xf32, #tpu.memory_space<vmem>>, vector<16xf32>,
    tpu.vector_store %arg7[%swap3A_34], %gather3A_33 {strides = array<i32>} : memref<128xf32, #tpu.memory_space<vmem>>, vector<16xf32>,
    %get3A_36 = arith.constant 64 : index
    %get3A_37 = tpu.vector_load %arg6[%get3A_36] {strides = array<i32>} : memref<128xi32, #tpu.memory_space<vmem>>, vector<16xi32>,
    %gather3A_38 = tpu.vector_load_idx %arg5[%get3A_37] : memref<64xf32, #tpu.memory_space<vmem>>[vector<16xi32>], vector<16xf32>,
    %swap3A_39 = arith.constant 64 : index
    %swap3A_40 = tpu.vector_load %arg7[%swap3A_39] {strides = array<i32>} : memref<128xf32, #tpu.memory_space<vmem>>, vector<16xf32>,
    tpu.vector_store %arg7[%swap3A_39], %gather3A_38 {strides = array<i32>} : memref<128xf32, #tpu.memory_space<vmem>>, vector<16xf32>,
    %get3A_41 = arith.constant 80 : index
    %get3A_42 = tpu.vector_load %arg6[%get3A_41] {strides = array<i32>} : memref<128xi32, #tpu.memory_space<vmem>>, vector<16xi32>,
    %gather3A_43 = tpu.vector_load_idx %arg5[%get3A_42] : memref<64xf32, #tpu.memory_space<vmem>>[vector<16xi32>], vector<16xf32>,
    %swap3A_44 = arith.constant 80 : index
    %swap3A_45 = tpu.vector_load %arg7[%swap3A_44] {strides = array<i32>} : memref<128xf32, #tpu.memory_space<vmem>>, vector<16xf32>,
    tpu.vector_store %arg7[%swap3A_44], %gather3A_43 {strides = array<i32>} : memref<128xf32, #tpu.memory_space<vmem>>, vector<16xf32>,
    %get3A_46 = arith.constant 96 : index
    %get3A_47 = tpu.vector_load %arg6[%get3A_46] {strides = array<i32>} : memref<128xi32, #tpu.memory_space<vmem>>, vector<16xi32>,
    %gather3A_48 = tpu.vector_load_idx %arg5[%get3A_47] : memref<64xf32, #tpu.memory_space<vmem>>[vector<16xi32>], vector<16xf32>,
    %swap3A_49 = arith.constant 96 : index
    %swap3A_50 = tpu.vector_load %arg7[%swap3A_49] {strides = array<i32>} : memref<128xf32, #tpu.memory_space<vmem>>, vector<16xf32>,
    tpu.vector_store %arg7[%swap3A_49], %gather3A_48 {strides = array<i32>} : memref<128xf32, #tpu.memory_space<vmem>>, vector<16xf32>,
    %get3A_51 = arith.constant 112 : index
    %get3A_52 = tpu.vector_load %arg6[%get3A_51] {strides = array<i32>} : memref<128xi32, #tpu.memory_space<vmem>>, vector<16xi32>,
    %gather3A_53 = tpu.vector_load_idx %arg5[%get3A_52] : memref<64xf32, #tpu.memory_space<vmem>>[vector<16xi32>], vector<16xf32>,
    %swap3A_54 = arith.constant 112 : index
    %swap3A_55 = tpu.vector_load %arg7[%swap3A_54] {strides = array<i32>} : memref<128xf32, #tpu.memory_space<vmem>>, vector<16xf32>,
    tpu.vector_store %arg7[%swap3A_54], %gather3A_53 {strides = array<i32>} : memref<128xf32, #tpu.memory_space<vmem>>, vector<16xf32>,
    %mul3A_56 = arith.constant 128 : i32
    %mul3A_57 = arith.muli %add3A, %mul3A_56 : i32
    "tpu.region"() ({
      %run_scoped3A = tpu.sem_alloc : memref<!tpu.dma_semaphore, #tpu.memory_space<semaphore_mem>>
      %dma_start3A_58 = tpu.memref_slice %arg4[%mul3A_57] : memref<4096xf32, #tpu.memory_space<hbm>> -> memref<128xf32, #tpu.memory_space<hbm>>
      %dma_start3A_59 = tpu.memref_slice %arg4[%mul3A_57] : memref<4096xf32, #tpu.memory_space<hbm>> -> memref<128xf32, #tpu.memory_space<hbm>>
      tpu.enqueue_dma source(%arg7 : memref<128xf32, #tpu.memory_space<vmem>>) target(%dma_start3A_59 : memref<128xf32, #tpu.memory_space<hbm>>) target_semaphore(%run_scoped3A : memref<!tpu.dma_semaphore, #tpu.memory_space<semaphore_mem>>)
      %dma_wait3A_60 = tpu.memref_slice %arg4[%mul3A_57] : memref<4096xf32, #tpu.memory_space<hbm>> -> memref<128xf32, #tpu.memory_space<hbm>>
      %dma_wait3A_61 = tpu.memref_slice %arg4[%mul3A_57] : memref<4096xf32, #tpu.memory_space<hbm>> -> memref<128xf32, #tpu.memory_space<hbm>>
      tpu.wait_dma2 semaphore(%run_scoped3A : memref<!tpu.dma_semaphore, #tpu.memory_space<semaphore_mem>>) src(%arg7 : memref<128xf32, #tpu.memory_space<vmem>>) dst(%dma_wait3A_61 : memref<128xf32, #tpu.memory_space<hbm>>)
      tpu.yield
    }) : () -> ()
    return
  }
}

module attributes {stable_mosaic.version = 14 : i64} {
  func.func @_tc_table_body(%arg0: memref<1x1536xf32, #tpu.memory_space<vmem>>, %arg1: memref<64x128xf32, #tpu.memory_space<vmem>>, %arg2: memref<128x1536xf32, #tpu.memory_space<vmem>>, %arg3: memref<1x128xf32, #tpu.memory_space<vmem>>, %arg4: memref<1x64xf32, #tpu.memory_space<vmem>>) attributes {dimension_semantics = [], scalar_prefetch = 0 : i64, scratch_operands = 0 : i64, tpu.core_type = #tpu.core_type<tc>} {
    %get3A = arith.constant 0 : index
    %get3A_0 = arith.constant 0 : index
    %get3A_1 = vector.load %arg0[%get3A, %get3A_0] : memref<1x1536xf32, #tpu.memory_space<vmem>>, vector<1x1536xf32>
    %get3A_2 = arith.constant 0 : index
    %get3A_3 = arith.constant 0 : index
    %get3A_4 = vector.load %arg2[%get3A_2, %get3A_3] : memref<128x1536xf32, #tpu.memory_space<vmem>>, vector<128x1536xf32>
    %dot_general3A = arith.constant dense<0.000000e+00> : vector<1x128xf32>
    %dot_general3A_5 = tpu.matmul %get3A_1, %get3A_4, %dot_general3A {dimension_numbers = #tpu.dot_dimension_numbers<[1], [1], [0], [0], [0, 0, 1, 0], [], []>, transpose_lhs_hint = false} : vector<1x1536xf32>, vector<128x1536xf32>, vector<1x128xf32> -> vector<1x128xf32>
    %get3A_6 = arith.constant 0 : index
    %get3A_7 = arith.constant 0 : index
    %get3A_8 = vector.load %arg3[%get3A_6, %get3A_7] : memref<1x128xf32, #tpu.memory_space<vmem>>, vector<1x128xf32>
    %mul3A = arith.mulf %dot_general3A_5, %get3A_8 : vector<1x128xf32>
    %get3A_9 = arith.constant 0 : index
    %get3A_10 = arith.constant 0 : index
    %get3A_11 = vector.load %arg1[%get3A_9, %get3A_10] : memref<64x128xf32, #tpu.memory_space<vmem>>, vector<64x128xf32>
    %dot_general3A_12 = arith.constant dense<0.000000e+00> : vector<1x64xf32>
    %dot_general3A_13 = tpu.matmul %mul3A, %get3A_11, %dot_general3A_12 {dimension_numbers = #tpu.dot_dimension_numbers<[1], [1], [0], [0], [0, 0, 1, 0], [], []>, transpose_lhs_hint = false} : vector<1x128xf32>, vector<64x128xf32>, vector<1x64xf32> -> vector<1x64xf32>
    %broadcast_in_dim3A = arith.constant 1.000000e+00 : f32
    %broadcast_in_dim3A_14 = vector.broadcast %broadcast_in_dim3A : f32 to vector<1x128xf32>
    %mul3A_15 = arith.mulf %get3A_11, %get3A_11 : vector<64x128xf32>
    %dot_general3A_16 = arith.constant dense<0.000000e+00> : vector<1x64xf32>
    %dot_general3A_17 = tpu.matmul %broadcast_in_dim3A_14, %mul3A_15, %dot_general3A_16 {dimension_numbers = #tpu.dot_dimension_numbers<[1], [1], [0], [0], [0, 0, 1, 0], [], []>, transpose_lhs_hint = false} : vector<1x128xf32>, vector<64x128xf32>, vector<1x64xf32> -> vector<1x64xf32>
    %sqrt3A = math.sqrt %dot_general3A_17 : vector<1x64xf32>
    %max3A = arith.constant 9.99999996E-13 : f32
    %max3A_18 = vector.broadcast %max3A : f32 to vector<1x64xf32>
    %max3A_19 = arith.maximumf %sqrt3A, %max3A_18 : vector<1x64xf32>
    %div3A = arith.divf %dot_general3A_13, %max3A_19 : vector<1x64xf32>
    %swap3A = arith.constant 0 : index
    %swap3A_20 = arith.constant 0 : index
    %swap3A_21 = vector.load %arg4[%swap3A, %swap3A_20] : memref<1x64xf32, #tpu.memory_space<vmem>>, vector<1x64xf32>
    tpu.vector_store %arg4[%swap3A, %swap3A_20], %div3A {strides = array<i32>} : memref<1x64xf32, #tpu.memory_space<vmem>>, vector<1x64xf32>,
    return
  }
}

</mosaic_0001>

<sc_bundles>
// kernel: _run.4.cloned.1.call-start
scs
__scs_entry_jumppad:
0x0: {  	(pc) =	sbr.rel $0x88, $3  }
0x1: {  	(tag) =	ssettag $0x0;
	lr =	simm.s32 $0x1  }
0x2: {  	[smem:$0x3F9C] =	sst lr;
	_ =	strace $0xD0000000  }
0x3: {  	_ = 	snop  }
0x4: {  	_ = 	snop  }
0x5: {  	_ = 	snop  }
0x6: {  	_ = 	snop  }
0x7: {  	_ = 	snop  }
__scs_overlays_trampoline_lowered:
0x8: {  	[smem:$0x3FAB] =	sst s0  }
0x9: {  	[smem:$0x3FAC] =	sst s1  }
0xa: {  	[smem:$0x3FAD] =	sst s2  }
0xb: {  	[smem:$0x3FAE] =	sst s3  }
0xc: {  	[smem:$0x3FAF] =	sst s4  }
0xd: {  	[smem:$0x3FB0] =	sst s5  }
0xe: {  	[smem:$0x3FB1] =	sst s6  }
0xf: {  	[smem:$0x3FB2] =	sst s7  }
0x10: {  	[smem:$0x3FB3] =	sst s8  }
0x11: {  	[smem:$0x3FB4] =	sst s9;
	s0 =	simm.s32 @!p0 $0x0  }
0x12: {  	s1 =	sld [smem:$0x3F9A];
	s0 =	simm.s32 @p0 $0x1  }
0x13: {  	[smem:$0x3FB5] =	sst s0;
	s0 =	simm.s32 @!p1 $0x0  }
0x14: {  	s2 =	sld [smem:$0x3F99];
	s0 =	simm.s32 @p1 $0x1  }
0x15: {  	[smem:$0x3FB6] =	sst s0;
	s0 =	simm.s32 @!p2 $0x0  }
0x16: {  	s3 =	sld [smem:$0x3FDB];
	s0 =	simm.s32 @p2 $0x1  }
0x17: {  	s4 =	simm.s32 $0x1BF5;
	[smem:$0x3FB8] =	sst s0  }
0x18: {  	s0 =	sld [smem:$0x3F9B];
	_ =	swait.ge [sflag:s4], $0x0  }
0x19: {  	s7 =	sld [smem:$0x3F9C]  }
0x1a: {  	s8 =	sadd.s32 $0xFFFFE003, lr  }
0x1b: {  	s9 =	sadd.s32 $0xFFFFFEF7, lr;
	s5 =	simm.s32 $0xFFFFFFFF;
	p2 =	slt.u32 s8, $0xFFFFF086  }
0x1c: {  	p1 =	slt.u32 s9, $0xF7A;
	s5 =	simm.s32 @!p2 $0x0  }
0x1d: {  	s5 =	simm.s32 @p1 $0x1;
	p0 =	seq.s32 s7, s2  }
0x1e: {  	s7 =	smul.u32 @!p0 $0xF7A, s2;
	p2 =	seq.s32 @!p0 s5, $0x0  }
0x1f: {  	s9 =	smul.u32 $0xF7A, s1;
	s8 =	simm.s32 @!p0 $0x1BF5;
	p2 =	por !p2, p0  }
0x20: {  	[sflag:s8] =	ssyncset.s32 @!p0 $0xFFFFF086;
	s6 =	sadd.s32 @!p0 s3, s7;
	s7 =	simm.s32 @!p0 $0x108  }
0x21: {  	s3 =	sadd.s32 s3, s9;
	s6 =	sadd.s32 @!p0 $0x88, s6;
	s7 =	simm.s32 @p2 $0x1082  }
0x22: {  	[simem:s7], [sflag:s8] =	dma.local @!p0 [hbm:s6], $0xF7A  }
0x23: {  	s9 =	sor.u32 $0xD0000000, s2;
	s6 =	simm.s32 $0x108;
	_ =	swait.ge @!p0 [sflag:s8], $0x0  }
0x24: {  	s3 =	sadd.s32 $0x88, s3;
	s6 =	simm.s32 @!p1 $0x1082;
	[sflag:s4] =	ssyncset.s32 $0xFFFFF086  }
0x25: {  	[simem:s6], [sflag:s4] =	dma.local [hbm:s3], $0xF7A  }
0x26: {  	[smem:$0x3F9C] =	sst s1;
	(tag) =	ssettag s2;
	_ =	strace s9  }
0x27: {  	s1 =	sld [smem:$0x3FAC]  }
0x28: {  	s2 =	sld [smem:$0x3FAD]  }
0x29: {  	s4 =	sld [smem:$0x3FAF]  }
0x2a: {  	p0 =	seq.s32 s5, $0x0;
	s5 =	sld [smem:$0x3FB0]  }
0x2b: {  	s6 =	sld [smem:$0x3FB1]  }
0x2c: {  	s7 =	sld [smem:$0x3FB2]  }
0x2d: {  	s3 =	simm.s32 $0x108;
	s8 =	sld [smem:$0x3FB3]  }
0x2e: {  	s3 =	simm.s32 @!p0 $0x1082;
	s9 =	sld [smem:$0x3FB4]  }
0x2f: {  	lr =	sadd.s32 s0, s3;
	s0 =	sld [smem:$0x3FAB]  }
0x30: {  	s3 =	sld [smem:$0x3FAE]  }
0x31: {  	[smem:$0x3FB7] =	sst s10  }
0x32: {  	s10 =	sld [smem:$0x3FB5];
	_ =	sdelay $0x3  }
0x33: {  	p0 =	seq.s32 s10, $0x1;
	s10 =	sld [smem:$0x3FB7];
	_ =	sdelay $0x3  }
0x34: {  	[smem:$0x3FB7] =	sst s10  }
0x35: {  	s10 =	sld [smem:$0x3FB6];
	_ =	sdelay $0x3  }
0x36: {  	p1 =	seq.s32 s10, $0x1;
	s10 =	sld [smem:$0x3FB7];
	_ =	sdelay $0x3  }
0x37: {  	[smem:$0x3FB7] =	sst s10  }
0x38: {  	s10 =	sld [smem:$0x3FB8]  }
0x39: {  	_ = 	snop;
	(pc) =	sbr.ind lr, $3  }
0x3a: {  	_ = 	snop  }
0x3b: {  	_ = 	snop  }
0x3c: {  	p2 =	seq.s32 s10, $0x1;
	s10 =	sld [smem:$0x3FB7]  }
0x3d: {  	_ =	shalt  }
0x3e: {  	_ =	shalt  }
0x3f: {  	_ =	shalt  }
0x40: {  	_ =	shalt  }
0x41: {  	_ =	shalt  }
0x42: {  	_ =	shalt  }
0x43: {  	_ =	shalt  }
0x44: {  	_ =	shalt  }
0x45: {  	_ =	shalt  }
0x46: {  	_ =	shalt  }
0x47: {  	_ =	shalt  }
0x48: {  	_ =	shalt  }
0x49: {  	_ =	shalt  }
0x4a: {  	_ =	shalt  }
0x4b: {  	_ =	shalt  }
0x4c: {  	_ =	shalt  }
0x4d: {  	_ =	shalt  }
0x4e: {  	_ =	shalt  }
0x4f: {  	_ =	shalt  }
0x50: {  	_ =	shalt  }
0x51: {  	_ =	shalt  }
0x52: {  	_ =	shalt  }
0x53: {  	_ =	shalt  }
0x54: {  	_ =	shalt  }
0x55: {  	_ =	shalt  }
0x56: {  	_ =	shalt  }
0x57: {  	_ =	shalt  }
0x58: {  	_ =	shalt  }
0x59: {  	_ =	shalt  }
0x5a: {  	_ =	shalt  }
0x5b: {  	_ =	shalt  }
0x5c: {  	_ =	shalt  }
0x5d: {  	_ =	shalt  }
0x5e: {  	_ =	shalt  }
0x5f: {  	_ =	shalt  }
0x60: {  	_ =	shalt  }
0x61: {  	_ =	shalt  }
0x62: {  	_ =	shalt  }
0x63: {  	_ =	shalt  }
0x64: {  	_ =	shalt  }
0x65: {  	_ =	shalt  }
0x66: {  	_ =	shalt  }
0x67: {  	_ =	shalt  }
0x68: {  	_ =	shalt  }
0x69: {  	_ =	shalt  }
0x6a: {  	_ =	shalt  }
0x6b: {  	_ =	shalt  }
0x6c: {  	_ =	shalt  }
0x6d: {  	_ =	shalt  }
0x6e: {  	_ =	shalt  }
0x6f: {  	_ =	shalt  }
0x70: {  	_ =	shalt  }
0x71: {  	_ =	shalt  }
0x72: {  	_ =	shalt  }
0x73: {  	_ =	shalt  }
0x74: {  	_ =	shalt  }
0x75: {  	_ =	shalt  }
0x76: {  	_ =	shalt  }
0x77: {  	_ =	shalt  }
0x78: {  	_ =	shalt  }
0x79: {  	_ =	shalt  }
0x7a: {  	_ =	shalt  }
0x7b: {  	_ =	shalt  }
0x7c: {  	_ =	shalt  }
0x7d: {  	_ =	shalt  }
0x7e: {  	_ =	shalt  }
0x7f: {  	_ =	shalt  }
0x80: {  	_ =	shalt  }
0x81: {  	_ =	shalt  }
0x82: {  	_ =	shalt  }
0x83: {  	_ =	shalt  }
0x84: {  	_ =	shalt  }
0x85: {  	_ =	shalt  }
0x86: {  	_ =	shalt  }
0x87: {  	_ =	shalt  }
.Lfunc_end0:
.L_simem_size_0:
called_computation_lowered:
.L_overlay_start_0:
0x88: {  	s2 =	sld [smem:$0x3FD9]  }
0x89: {  	s3 =	sld [smem:$0x3FFE];
	_ =	sdelay $0x1  }
0x8a: {  	s1 =	srdreg.scid  }
0x8b: {  	s0 =	sand.u32 $0x1, s1  }
0x8c: {  	s17 =	sshll.u32 s0, $0xA;
	s2 =	sadd.s32 s3, s2  }
0x8d: {  	s2 =	sadd.s32 s2, s17  }
0x8e: {  	[smem:$0x3FC3] =	sst s2  }
0x8f: {  	_ = 	snop  }
0x90: {  	s2 =	sld [smem:$0x3FC9]  }
0x91: {  	s18 =	sld [smem:$0x3FD0];
	(tm) =	ssettm $0x1  }
0x92: {  	s4 =	sld [smem:$0x3FFB];
	_ =	sdelay $0x3  }
0x93: {  	_ =	strace s4  }
0x94: {  	s4 =	sld [smem:$0x3FFC];
	_ =	sdelay $0x3  }
0x95: {  	_ =	strace s4  }
0x96: {  	s4 =	sld [smem:$0x3FFD];
	_ =	sdelay $0x3  }
0x97: {  	_ =	strace s4  }
0x98: {  	_ =	strace $0x8FFFFFFF  }
0x99: {  	s19 =	sld [smem:$0x3FDB];
	_ =	sdelay $0x1  }
0x9a: {  	s5 =	simm.s32 $_scs_section_size  }
0x9b: {  	s6 =	simm.s32 $_size__tile_overlayer_lowered;
	s7 =	simm.s32 $_tile_overlayer_lowered  }
0x9c: {  	s22 =	simm.s32 $0x1BFF;
	s21 =	sshll.u32 s7, $0x1;
	s4 =	sadd.s32 s5, s19  }
0x9d: {  	s8 =	simm.s32 $0x0;
	s20 =	sshll.u32 s6, $0x1;
	s6 =	sadd.s32 s21, s4  }
0x9e: {  	[timem:s8], [sflag:s22] =	dma.local [hbm:s6], s20  }
0x9f: {  	_ =	swait.ge [sflag:s22], s20  }
0xa0: {  	s5 =	ssub.s32 $0x0, s20;
	[sflag:s22] =	ssyncset.done $0x0  }
0xa1: {  	[sflag:s22] =	ssyncadd.s32 s5;
	_ =	sdelay $0x1  }
0xa2: {  	s23 =	simm.s32 $0x1B8B  }
0xa3: {  	_ =	swait.ge [sflag:s23], $0x1  }
0xa4: {  	[sflag:s23] =	ssyncset.done $0x0  }
0xa5: {  	s25 =	simm.s32 $0x1B8E;
	s24 =	sld [smem:$0x3FFE];
	[sflag:s23] =	ssyncadd.s32 $0xFFFFFFFF  }
0xa6: {  	s26 =	simm.s32 $execute0_lowered;
	[smem:$0x3FD2] =	sst s25  }
0xa7: {  	s6 =	sshll.u32 s26, $0x1;
	_ =	strace $0x80000046;
	[dreg:$0x1] =	wrdreg $0xFFFFFFFF  }
0xa8: {  	s28 =	simm.s32 $_size_execute0_lowered;
	s4 =	sadd.s32 s4, s6;
	[dreg:$0x0] =	wrdreg $0x0  }
0xa9: {  	s6 =	sshll.u32 s28, $0x1;
	[dreg:$0x2] =	wrdreg s4  }
0xaa: {  	[dreg:$0x3] =	wrdreg s6  }
0xab: {  	[dreg:$0x4] =	wrdreg $0xC0  }
0xac: {  	_ =	task [dreg:s8], $0x5FFFF  }
0xad: {  	[dreg:$0x1] =	wrdreg $0xFFFFFFFF  }
0xae: {  	[dreg:$0x0] =	wrdreg $0x60  }
0xaf: {  	[dreg:$0x2] =	wrdreg s24  }
0xb0: {  	[dreg:$0x3] =	wrdreg s2  }
0xb1: {  	[dreg:$0x4] =	wrdreg s18  }
0xb2: {  	[dreg:$0x5] =	wrdreg $0x9  }
0xb3: {  	_ =	task.clear_ibuf [dreg:s8], $0x6FFFF;
	_ =	strace $0x90000046  }
0xb4: {  	s29 =	simm.s32 $0x9;
	_ =	strace $0x80000048  }
0xb5: {  	_ =	swait.ge [sflag:s29], $0x1  }
0xb6: {  	[sflag:s29] =	ssyncadd.s32 $0xFFFFFFFF  }
0xb7: {  	_ =	strace $0x90000048  }
0xb8: {  	_ =	sfence  }
0xb9: {  	s30 =	sld [smem:$0x0];
	_ =	sdelay $0x2  }
0xba: {  	s31 =	sshll.u32 s1, $0xD;
	s1 =	sshrl.u32 s1, $0x2  }
0xbb: {  	s3 =	sand.u32 $0x4000, s31;
	s1 =	sadd.s32 s1, s30  }
0xbc: {  	s0 =	sor.u32 s3, s0;
	s1 =	sshll.u32 s1, $0x11  }
0xbd: {  	s0 =	sor.u32 s1, s0  }
0xbe: {  	s0 =	sadd.s32 $0x8F2B, s0  }
0xbf: {  	[sflag:s0] =	ssyncadd.remote.s32 $0x1  }
0xc0: {  	_ =	sfence.sel $0xFFFF  }
0xc1: {  	[dreg:$0x0] =	wrdreg $0xFFFFFFFF;
	(pc) =	sbr.abs _section_cstart, $3  }
0xc2: {  	[dreg:$0x1] =	wrdreg $0xFFFFFFFF  }
0xc3: {  	_ =	task.clear_ibuf [dreg:s8], $0x2FFFF;
	_ =	strace $0x9FFFFFFF  }
0xc4: {  	(tm) =	ssettm $0x7FFFFFFF  }
0xc5: {  	_ =	shalt  }
tec
execute0_lowered:
.L_overlay_start_1:
0x0: {  	(tag) =	ssettag $0x1  }
0x1: {  	s3 =	rddreg [dreg:$0x0]  }
0x2: {  	s4 =	rddreg [dreg:$0x1]  }
0x3: {  	s8 =	rddreg [dreg:$0x2]  }
0x4: {  	s0 =	rddreg [dreg:$0x3];
	s5 =	srdreg.scid  }
0x5: {  	s2 =	simm.s32 $0x0;
	s1 =	stileid.u32;
	s9 =	sand.u32 $0x1, s5  }
0x6: {  	[smem:$0x7FF] =	sst s2;
	s31 =	sshll.u32 s1, $0x5;
	s6 =	sshll.u32 s9, $0x4  }
0x7: {  	s3 =	sadd.s32 $0xC00, s3;
	_ =	strace $0x80000047;
	s10 =	sor.u32 s6, s31  }
0x8: {  	[tilespmem:s2], [sflag:$0x1] =	stream.linear.gather [hbm4b:s3+s2], $0x80, $0x38;
	[tilespmem:$0x180] =	vst v63  }
0x9: {  	s5 =	simm.s32 $0x80;
	s6 =	simm.s32 $0x1;
	s4 =	sadd.s32 s4, s10  }
0xa: {  	[tilespmem:s5], [sflag:$0x2] =	stream.linear.gather [hbm4b:s4+s2], $0x80, $0x38;
	[tilespmem:$0x180] =	vst v63  }
0xb: {  	_ =	swait.ge [sflag:s6], $0x80  }
0xc: {  	[sflag:s6] =	ssyncset.done $0x0  }
0xd: {  	s7 =	simm.s32 $0x2;
	[sflag:s6] =	ssyncadd.s32 $0xFFFFFF80  }
0xe: {  	_ =	swait.ge [sflag:s7], $0x80  }
0xf: {  	[sflag:s7] =	ssyncset.done $0x0  }
0x10: {  	[sflag:s7] =	ssyncadd.s32 $0xFFFFFF80  }
0x11: {  	v0 =	vld [tilespmem:$0x80];
	_ =	sdelay $0x5  }
0x12: {  	v1 =	vld [tilespmem:$0x90];
	_ =	sdelay $0x1  }
0x13: {  	v0 =	vld.idx.msk [tilespmem:v0+s2+$0x0], $0xffff;
	_ =	sdelay $0x3  }
0x14: {  	v2 =	vld [tilespmem:$0xA0]  }
0x15: {  	[tilespmem:$0x100] =	vst v0  }
0x16: {  	v0 =	vld.idx.msk [tilespmem:v1+s2+$0x0], $0xffff;
	_ =	sdelay $0x3  }
0x17: {  	v59 =	vld [tilespmem:$0xB0]  }
0x18: {  	[tilespmem:$0x110] =	vst v0  }
0x19: {  	v0 =	vld.idx.msk [tilespmem:v2+s2+$0x0], $0xffff;
	_ =	sdelay $0x3  }
0x1a: {  	v60 =	vld [tilespmem:$0xC0]  }
0x1b: {  	[tilespmem:$0x120] =	vst v0  }
0x1c: {  	v0 =	vld.idx.msk [tilespmem:v59+s2+$0x0], $0xffff;
	_ =	sdelay $0x3  }
0x1d: {  	v61 =	vld [tilespmem:$0xD0]  }
0x1e: {  	[tilespmem:$0x130] =	vst v0  }
0x1f: {  	v0 =	vld.idx.msk [tilespmem:v60+s2+$0x0], $0xffff;
	_ =	sdelay $0x3  }
0x20: {  	v62 =	vld [tilespmem:$0xE0]  }
0x21: {  	[tilespmem:$0x140] =	vst v0  }
0x22: {  	v0 =	vld.idx.msk [tilespmem:v61+s2+$0x0], $0xffff;
	_ =	sdelay $0x3  }
0x23: {  	v63 =	vld [tilespmem:$0xF0]  }
0x24: {  	[tilespmem:$0x150] =	vst v0  }
0x25: {  	v0 =	vld.idx.msk [tilespmem:v62+s2+$0x0], $0xffff;
	_ =	sdelay $0x4  }
0x26: {  	s9 =	ssub.s32 $0x2, s9;
	[tilespmem:$0x160] =	vst v0  }
0x27: {  	s11 =	sshrl.u32 s9, $0x1;
	v0 =	vld.idx.msk [tilespmem:v63+s2+$0x0], $0xffff  }
0x28: {  	s9 =	ssub.s32 s9, s11  }
0x29: {  	s11 =	smax.u32 s9, $0x1  }
0x2a: {  	p0 =	sne.s32 s11, $0x1  }
.Ltmp0:
0x2b: {  	_ = 	snop;
	(pc) =	sbr.rel @!p0 .LBB2_2-.Ltmp0, $4  }
0x2c: {  	s8 =	sadd.s32 s8, s10;
	s10 =	simm.s32 $0x100;
	s9 =	simm.s32 $0x3;
	[tilespmem:$0x170] =	vst v0  }
0x2d: {  	[hbm4b:s8+s2] =	stream.linear.scatter [tilespmem:s10], [sflag:$0x3], $0x80, $0x38;
	[tilespmem:$0x180] =	vst v63  }
0x2e: {  	_ =	swait.ge [sflag:s9], $0x80  }
0x2f: {  	s11 =	sadd.s32 $0xFFFFFFFF, s11;
	[sflag:s9] =	ssyncset.done $0x0  }
.LBB2_1:
0x30: {  	p0 =	sne.s32 s11, $0x1;
	s11 =	sadd.s32 $0xFFFFFFFF, s11;
	[sflag:s9] =	ssyncadd.s32 $0xFFFFFF80  }
0x31: {  	[tilespmem:s2], [sflag:$0x1] =	stream.linear.gather [hbm4b:s3+s2], $0x80, $0x38;
	[tilespmem:$0x180] =	vst v63  }
0x32: {  	_ = 	snop  }
0x33: {  	[tilespmem:s5], [sflag:$0x2] =	stream.linear.gather [hbm4b:s4+s2], $0x80, $0x38;
	[tilespmem:$0x180] =	vst v63  }
0x34: {  	_ =	swait.ge [sflag:s6], $0x80  }
0x35: {  	[sflag:s6] =	ssyncset.done $0x0  }
0x36: {  	[sflag:s6] =	ssyncadd.s32 $0xFFFFFF80  }
0x37: {  	_ =	swait.ge [sflag:s7], $0x80  }
0x38: {  	[sflag:s7] =	ssyncset.done $0x0  }
0x39: {  	[sflag:s7] =	ssyncadd.s32 $0xFFFFFF80  }
0x3a: {  	v0 =	vld [tilespmem:$0x80];
	_ =	sdelay $0x6  }
0x3b: {  	v1 =	vld [tilespmem:$0x90]  }
0x3c: {  	v0 =	vld.idx.msk [tilespmem:v0+s2+$0x0], $0xffff;
	_ =	sdelay $0x5  }
0x3d: {  	[tilespmem:$0x100] =	vst v0;
	v0 =	vld [tilespmem:$0xA0]  }
0x3e: {  	v1 =	vld.idx.msk [tilespmem:v1+s2+$0x0], $0xffff;
	_ =	sdelay $0x5  }
0x3f: {  	[tilespmem:$0x110] =	vst v1;
	v1 =	vld [tilespmem:$0xB0]  }
0x40: {  	v0 =	vld.idx.msk [tilespmem:v0+s2+$0x0], $0xffff;
	_ =	sdelay $0x5  }
0x41: {  	[tilespmem:$0x120] =	vst v0;
	v0 =	vld [tilespmem:$0xC0]  }
0x42: {  	v1 =	vld.idx.msk [tilespmem:v1+s2+$0x0], $0xffff;
	_ =	sdelay $0x5  }
0x43: {  	[tilespmem:$0x130] =	vst v1;
	v1 =	vld [tilespmem:$0xD0]  }
0x44: {  	v0 =	vld.idx.msk [tilespmem:v0+s2+$0x0], $0xffff;
	_ =	sdelay $0x5  }
0x45: {  	[tilespmem:$0x140] =	vst v0;
	v0 =	vld [tilespmem:$0xE0]  }
0x46: {  	v1 =	vld.idx.msk [tilespmem:v1+s2+$0x0], $0xffff;
	_ =	sdelay $0x5  }
0x47: {  	[tilespmem:$0x150] =	vst v1;
	v1 =	vld [tilespmem:$0xF0]  }
0x48: {  	v0 =	vld.idx.msk [tilespmem:v0+s2+$0x0], $0xffff;
	_ =	sdelay $0x5  }
0x49: {  	[tilespmem:$0x160] =	vst v0  }
0x4a: {  	v0 =	vld.idx.msk [tilespmem:v1+s2+$0x0], $0xffff;
	_ =	sdelay $0x4  }
.Ltmp1:
0x4b: {  	(pc) =	sbr.rel @p0 .LBB2_1-.Ltmp1, $4  }
0x4c: {  	[tilespmem:$0x170] =	vst v0  }
0x4d: {  	[hbm4b:s8+s2] =	stream.linear.scatter [tilespmem:s10], [sflag:$0x3], $0x80, $0x38;
	[tilespmem:$0x180] =	vst v63  }
0x4e: {  	_ =	swait.ge [sflag:s9], $0x80  }
0x4f: {  	[sflag:s9] =	ssyncset.done $0x0  }
.LBB2_2:
0x50: {  	[sflag:s9] =	ssyncadd.s32 $0xFFFFFF80  }
0x51: {  	_ =	sfence.sel $0x180000  }
0x52: {  	[bflag:$0x0] =	sbarrier.arrive $0xFFFF  }
0x53: {  	p0 =	sne.s32 s1, $0x0;
	_ =	strace $0x90000047  }
0x54: {  	s0 =	sadd.s32 @!p0 $0x100000, s0;
	[bflag:$0x2] =	sbarrier.arrive $0xFFFF  }
0x55: {  	[sflag:s0] =	ssyncadd.tile.s32 @!p0 $0x1;
	_ =	shalt  }
.Lfunc_end2:
_tile_overlayer_lowered:
.L_overlay_start_2:
0x56: {  	(tag) =	ssettag $0x2  }
0x57: {  	s0 =	rddreg [dreg:$0x0];
	s2 =	stileid.u32  }
0x58: {  	s1 =	rddreg [dreg:$0x1];
	p0 =	sne.s32 s2, $0x0  }
0x59: {  	s3 =	rddreg [dreg:$0x2];
	[bflag:$0x3] =	sbarrier.arrive $0xFFFF;
	s2 =	simm.s32 @!p0 $0x1C03  }
0x5a: {  	[timem:s3], [sflag:s2] =	dma.local @!p0 [hbm:s0], s1  }
0x5b: {  	s0 =	simm.s32 @!p0 $0x3  }
0x5c: {  	_ =	swait.ge @!p0 [sflag:s0], s1  }
0x5d: {  	s1 =	ssub.s32 @!p0 $0x0, s1;
	[sflag:s0] =	ssyncset.done @!p0 $0x0  }
0x5e: {  	[sflag:s0] =	ssyncadd.s32 @!p0 s1  }
0x5f: {  	[bflag:$0x3] =	sbarrier.arrive $0xFFFF  }
0x60: {  	_ =	shalt  }

</sc_bundles>
